<compile_context>
chip_gen: v7x
topology: tpu7x:2x2x1
jax: 0.10.2.dev20260603
libtpu: 0.0.44.dev20260713+nightly
codegen_flags: <defaults>
</compile_context>

<pallas_src>
import functools

import jax
import jax.numpy as jnp
from jax import lax
from jax.experimental import pallas as pl
from jax.experimental.pallas import tpu as pltpu
from jax.experimental.pallas import tpu_sc as plsc

NC, NS = 2, 16
NW = NC * NS


def _tc1_kernel(x_ref, w_ref, i12_ref):
    B = x_ref.shape[0]
    w = w_ref[...]
    K = w.shape[0]
    HW = x_ref.shape[2]
    T = B * HW

    xall = jnp.concatenate([x_ref[b] for b in range(B)], axis=1)
    wsq = jnp.sum(w * w, axis=1)
    dots = jax.lax.dot_general(
        w, xall, (((1,), (0,)), ((), ())),
        preferred_element_type=jnp.float32,
        precision=jax.lax.Precision.HIGHEST)
    score = wsq[:, None] - 2.0 * dots

    iota_k = jax.lax.broadcasted_iota(jnp.int32, (K, T), 0)
    big = jnp.int32(K)
    m1 = jnp.min(score, axis=0)
    i1 = jnp.min(jnp.where(score == m1[None, :], iota_k, big), axis=0)
    score2 = jnp.where(iota_k == i1[None, :], jnp.inf, score)
    m2 = jnp.min(score2, axis=0)
    i2 = jnp.min(jnp.where(score2 == m2[None, :], iota_k, big), axis=0)

    i12_ref[0, :T] = i1
    i12_ref[0, T:] = i2


def _sc_gather_body(w_hbm, idx_hbm, out_hbm, idx_v, rows_v, sem):
    n_per_w = idx_v.shape[0]
    wid = lax.axis_index("s") * NC + lax.axis_index("c")
    base = wid * n_per_w
    pltpu.sync_copy(idx_hbm.at[pl.ds(base, n_per_w)], idx_v)
    pltpu.async_copy(w_hbm.at[idx_v], rows_v, sem).wait()
    pltpu.sync_copy(rows_v, out_hbm.at[pl.ds(base, n_per_w)])


def _tc2_kernel(x_ref, cand_ref, i12_ref, code_ref, xnew_ref):
    B = x_ref.shape[0]
    HW = x_ref.shape[2]
    T = B * HW

    xall = jnp.concatenate([x_ref[b] for b in range(B)], axis=1)
    cc = jnp.transpose(cand_ref[...])
    c1 = cc[:, :T]
    c2 = cc[:, T:]
    i1 = i12_ref[0, :T]
    i2 = i12_ref[0, T:]

    df1 = xall - c1
    df2 = xall - c2
    d1 = jnp.sqrt(jnp.sum(df1 * df1, axis=0))
    d2 = jnp.sqrt(jnp.sum(df2 * df2, axis=0))

    take2 = (d2 < d1) | ((d2 == d1) & (i2 < i1))
    code_ref[0, :] = jnp.where(take2, i2, i1)
    xnew = jnp.where(take2[None, :], c2, c1)
    for b in range(B):
        xnew_ref[b] = xnew[:, b * HW:(b + 1) * HW]


def kernel(x, weight):
    B, C, H, W = x.shape
    HW = H * W
    K = weight.shape[0]
    T = B * HW
    xf = x.reshape(B, C, HW)

    i12 = pl.pallas_call(
        _tc1_kernel,
        out_shape=jax.ShapeDtypeStruct((1, 2 * T), jnp.int32),
    )(xf, weight)

    n_per_w = (2 * T) // NW
    mesh = plsc.VectorSubcoreMesh(core_axis_name="c", subcore_axis_name="s")
    sc_gather = functools.partial(
        pl.kernel,
        out_type=jax.ShapeDtypeStruct((2 * T, C), jnp.float32),
        mesh=mesh,
        scratch_types=[
            pltpu.VMEM((n_per_w,), jnp.int32),
            pltpu.VMEM((n_per_w, C), jnp.float32),
            pltpu.SemaphoreType.DMA,
        ],
    )(_sc_gather_body)
    cand = sc_gather(weight, i12.reshape(2 * T))

    code2, xnew = pl.pallas_call(
        _tc2_kernel,
        out_shape=[
            jax.ShapeDtypeStruct((1, T), jnp.int32),
            jax.ShapeDtypeStruct((B, C, HW), jnp.float32),
        ],
    )(xf, cand, i12)

    return code2.reshape(B, HW), xnew.reshape(B, C, H, W)

# --- scband reference (transcript-rebuilt; emitter-appended) ---
"""Pipeline reference for scband-coding-15479062134879 (READ-ONLY COPY).

The authoritative reference and input builder live on the scoring server;
editing this copy changes nothing except your own understanding.
"""

import jax, jax.numpy as jnp
import numpy as np

NUM_CODES = 512
CODE_DIM = 256


def setup_inputs(seed: int = 0) -> dict:
    key = jax.random.key(seed)
    kx, kw = jax.random.split(key)
    x = jax.random.normal(kx, (4, 256, 16, 16), dtype=jnp.float32)
    w = jax.random.normal(kw, (NUM_CODES, CODE_DIM), dtype=jnp.float32)
    w = w / jnp.linalg.norm(w, axis=-1, keepdims=True)
    return {"x": x, "weight": w}


def reference(x, weight):
    inp_shape = x.shape
    # torch.flatten(x, start_dim=2)
    xf = x.reshape(inp_shape[0], inp_shape[1], -1)
    # permute (0, 2, 1) and add code axis -> [B, HW, 1, C]
    xp = jnp.transpose(xf, (0, 2, 1))[:, :, None, :]
    # broadcast diff against codebook [K, C] -> [B, HW, K, C]
    oup_emb_diff = xp - weight[None, None, :, :]
    # torch.norm over last dim -> [B, HW, K]
    oup_emb_distance = jnp.sqrt(jnp.sum(oup_emb_diff * oup_emb_diff, axis=-1))
    # nearest code
    code = jnp.argmin(oup_emb_distance, axis=-1)
    # embedding lookup (gather)
    x_new = jnp.take(weight, code, axis=0)
    # permute back and reshape to input shape
    x_new = jnp.transpose(x_new, (0, 2, 1)).reshape(inp_shape)
    return (code, x_new)

if __name__ == "__main__":
    import jax
    _d = setup_inputs()
    print(jax.jit(kernel)(*tuple(_d.values())))

</pallas_src>

<mosaic_0001>
#map = affine_map<(d0, d1) -> (0, 0)>
#map1 = affine_map<(d0, d1) -> (0)>
module attributes {stable_mosaic.version = 14 : i64} {
  func.func @_sc_gather_body(%arg0: i32, %arg1: i32, %arg2: memref<512x256xf32, #tpu.memory_space<hbm>>, %arg3: memref<2048xi32, #tpu.memory_space<hbm>>, %arg4: memref<2048x256xf32, #tpu.memory_space<hbm>>, %arg5: memref<64xi32, #tpu.memory_space<vmem>>, %arg6: memref<64x256xf32, #tpu.memory_space<vmem>>, %arg7: memref<!tpu.dma_semaphore, #tpu.memory_space<semaphore_mem>>) attributes {dimension_semantics = [#tpu.dimension_semantics<core_parallel>, #tpu.dimension_semantics<subcore_parallel>], iteration_bounds = array<i64: 2, 16>, scalar_prefetch = 0 : i64, scratch_operands = 3 : i64, tpu.core_type = #tpu.core_type<sc_vector_subcore>, window_params = [{transform_indices = #map}, {transform_indices = #map1}, {transform_indices = #map}]} {
    %mul3A = arith.constant 2 : i32
    %mul3A_0 = arith.muli %arg1, %mul3A : i32
    %add3A = arith.addi %mul3A_0, %arg0 : i32
    %mul3A_1 = arith.constant 64 : i32
    %mul3A_2 = arith.muli %add3A, %mul3A_1 : i32
    "tpu.region"() ({
      %run_scoped3A = tpu.sem_alloc : memref<!tpu.dma_semaphore, #tpu.memory_space<semaphore_mem>>
      %dma_start3A_7 = tpu.memref_slice %arg3[%mul3A_2] : memref<2048xi32, #tpu.memory_space<hbm>> -> memref<64xi32, #tpu.memory_space<hbm>>
      %dma_start3A_8 = tpu.memref_slice %arg3[%mul3A_2] : memref<2048xi32, #tpu.memory_space<hbm>> -> memref<64xi32, #tpu.memory_space<hbm>>
      tpu.enqueue_dma source(%dma_start3A_8 : memref<64xi32, #tpu.memory_space<hbm>>) target(%arg5 : memref<64xi32, #tpu.memory_space<vmem>>) target_semaphore(%run_scoped3A : memref<!tpu.dma_semaphore, #tpu.memory_space<semaphore_mem>>)
      %dma_wait3A_9 = tpu.memref_slice %arg3[%mul3A_2] : memref<2048xi32, #tpu.memory_space<hbm>> -> memref<64xi32, #tpu.memory_space<hbm>>
      %dma_wait3A_10 = tpu.memref_slice %arg3[%mul3A_2] : memref<2048xi32, #tpu.memory_space<hbm>> -> memref<64xi32, #tpu.memory_space<hbm>>
      tpu.wait_dma2 semaphore(%run_scoped3A : memref<!tpu.dma_semaphore, #tpu.memory_space<semaphore_mem>>) src(%dma_wait3A_10 : memref<64xi32, #tpu.memory_space<hbm>>) dst(%arg5 : memref<64xi32, #tpu.memory_space<vmem>>)
      tpu.yield
    }) : () -> ()
    %dma_start3A = arith.constant 0 : i32
    %dma_start3A_3 = arith.constant 0 : i32
    %dma_start3A_4 = tpu.memref_slice %arg2[%dma_start3A, %dma_start3A_3] : memref<512x256xf32, #tpu.memory_space<hbm>> -> memref<512x256xf32, #tpu.memory_space<hbm>>
    tpu.enqueue_indirect_dma source(%dma_start3A_4 : memref<512x256xf32, #tpu.memory_space<hbm>>) target(%arg6 : memref<64x256xf32, #tpu.memory_space<vmem>>) offsets(%arg5 : memref<64xi32, #tpu.memory_space<vmem>>) semaphore(%arg7 : memref<!tpu.dma_semaphore, #tpu.memory_space<semaphore_mem>>)
    %dma_wait3A = arith.constant 0 : i32
    %dma_wait3A_5 = arith.constant 0 : i32
    %dma_wait3A_6 = tpu.memref_slice %arg2[%dma_wait3A, %dma_wait3A_5] : memref<512x256xf32, #tpu.memory_space<hbm>> -> memref<512x256xf32, #tpu.memory_space<hbm>>
    tpu.wait_indirect_dma semaphore(%arg7 : memref<!tpu.dma_semaphore, #tpu.memory_space<semaphore_mem>>) src(%dma_wait3A_6 : memref<512x256xf32, #tpu.memory_space<hbm>>) dst(%arg6 : memref<64x256xf32, #tpu.memory_space<vmem>>)
    "tpu.region"() ({
      %run_scoped3A = tpu.sem_alloc : memref<!tpu.dma_semaphore, #tpu.memory_space<semaphore_mem>>
      %dma_start3A_7 = arith.constant 0 : i32
      %dma_start3A_8 = tpu.memref_slice %arg4[%mul3A_2, %dma_start3A_7] : memref<2048x256xf32, #tpu.memory_space<hbm>> -> memref<64x256xf32, #tpu.memory_space<hbm>>
      %dma_start3A_9 = arith.constant 0 : i32
      %dma_start3A_10 = tpu.memref_slice %arg4[%mul3A_2, %dma_start3A_9] : memref<2048x256xf32, #tpu.memory_space<hbm>> -> memref<64x256xf32, #tpu.memory_space<hbm>>
      tpu.enqueue_dma source(%arg6 : memref<64x256xf32, #tpu.memory_space<vmem>>) target(%dma_start3A_10 : memref<64x256xf32, #tpu.memory_space<hbm>>) target_semaphore(%run_scoped3A : memref<!tpu.dma_semaphore, #tpu.memory_space<semaphore_mem>>)
      %dma_wait3A_11 = arith.constant 0 : i32
      %dma_wait3A_12 = tpu.memref_slice %arg4[%mul3A_2, %dma_wait3A_11] : memref<2048x256xf32, #tpu.memory_space<hbm>> -> memref<64x256xf32, #tpu.memory_space<hbm>>
      %dma_wait3A_13 = arith.constant 0 : i32
      %dma_wait3A_14 = tpu.memref_slice %arg4[%mul3A_2, %dma_wait3A_13] : memref<2048x256xf32, #tpu.memory_space<hbm>> -> memref<64x256xf32, #tpu.memory_space<hbm>>
      tpu.wait_dma2 semaphore(%run_scoped3A : memref<!tpu.dma_semaphore, #tpu.memory_space<semaphore_mem>>) src(%arg6 : memref<64x256xf32, #tpu.memory_space<vmem>>) dst(%dma_wait3A_14 : memref<64x256xf32, #tpu.memory_space<hbm>>)
      tpu.yield
    }) : () -> ()
    return
  }
}

module attributes {stable_mosaic.version = 14 : i64} {
  func.func @_tc1_kernel(%arg0: memref<4x256x256xf32, #tpu.memory_space<vmem>>, %arg1: memref<512x256xf32, #tpu.memory_space<vmem>>, %arg2: memref<1x2048xi32, #tpu.memory_space<vmem>>) attributes {dimension_semantics = [], scalar_prefetch = 0 : i64, scratch_operands = 0 : i64, tpu.core_type = #tpu.core_type<tc>} {
    %get3A = arith.constant 0 : index
    %get3A_0 = arith.constant 0 : index
    %get3A_1 = vector.load %arg1[%get3A, %get3A_0] : memref<512x256xf32, #tpu.memory_space<vmem>>, vector<512x256xf32>
    %get3A_2 = arith.constant 0 : index
    %get3A_3 = arith.constant 0 : index
    %get3A_4 = arith.constant 0 : index
    %get3A_5 = vector.load %arg0[%get3A_2, %get3A_3, %get3A_4] : memref<4x256x256xf32, #tpu.memory_space<vmem>>, vector<1x256x256xf32>
    %get3A_6 = vector.shape_cast %get3A_5 : vector<1x256x256xf32> to vector<256x256xf32>
    %get3A_7 = arith.constant 1 : index
    %get3A_8 = arith.constant 0 : index
    %get3A_9 = arith.constant 0 : index
    %get3A_10 = vector.load %arg0[%get3A_7, %get3A_8, %get3A_9] : memref<4x256x256xf32, #tpu.memory_space<vmem>>, vector<1x256x256xf32>
    %get3A_11 = vector.shape_cast %get3A_10 : vector<1x256x256xf32> to vector<256x256xf32>
    %get3A_12 = arith.constant 2 : index
    %get3A_13 = arith.constant 0 : index
    %get3A_14 = arith.constant 0 : index
    %get3A_15 = vector.load %arg0[%get3A_12, %get3A_13, %get3A_14] : memref<4x256x256xf32, #tpu.memory_space<vmem>>, vector<1x256x256xf32>
    %get3A_16 = vector.shape_cast %get3A_15 : vector<1x256x256xf32> to vector<256x256xf32>
    %get3A_17 = arith.constant 3 : index
    %get3A_18 = arith.constant 0 : index
    %get3A_19 = arith.constant 0 : index
    %get3A_20 = vector.load %arg0[%get3A_17, %get3A_18, %get3A_19] : memref<4x256x256xf32, #tpu.memory_space<vmem>>, vector<1x256x256xf32>
    %get3A_21 = vector.shape_cast %get3A_20 : vector<1x256x256xf32> to vector<256x256xf32>
    %concatenate3A = tpu.concatenate %get3A_6, %get3A_11, %get3A_16, %get3A_21 in 1 : vector<256x256xf32>, vector<256x256xf32>, vector<256x256xf32>, vector<256x256xf32> -> vector<256x1024xf32>
    %mul3A = arith.mulf %get3A_1, %get3A_1 : vector<512x256xf32>
    %reduce_sum3A = arith.constant dense<0.000000e+00> : vector<512xf32>
    %reduce_sum3A_22 = vector.multi_reduction <add>, %mul3A, %reduce_sum3A [1] : vector<512x256xf32> to vector<512xf32>
    %dot_general3A = arith.constant dense<0.000000e+00> : vector<512x1024xf32>
    %dot_general3A_23 = tpu.matmul %get3A_1, %concatenate3A, %dot_general3A {dimension_numbers = #tpu.dot_dimension_numbers<[1], [0], [0], [1], [0, 0, 1, 1], [], []>, precision = #tpu.contract_precision<fp32>, transpose_lhs_hint = false} : vector<512x256xf32>, vector<256x1024xf32>, vector<512x1024xf32> -> vector<512x1024xf32>
    %broadcast_in_dim3A = vector.shape_cast %reduce_sum3A_22 : vector<512xf32> to vector<512x1xf32>
    %mul3A_24 = arith.constant 2.000000e+00 : f32
    %mul3A_25 = vector.broadcast %mul3A_24 : f32 to vector<512x1024xf32>
    %mul3A_26 = arith.mulf %mul3A_25, %dot_general3A_23 : vector<512x1024xf32>
    %sub3A = vector.broadcast %broadcast_in_dim3A : vector<512x1xf32> to vector<512x1024xf32>
    %sub3A_27 = arith.subf %sub3A, %mul3A_26 : vector<512x1024xf32>
    %iota3A = tpu.iota {dimensions = array<i32: 0>} : vector<512x1024xi32>
    %reduce_min3A = arith.constant dense<0x7F800000> : vector<1024xf32>
    %reduce_min3A_28 = vector.multi_reduction <minimumf>, %sub3A_27, %reduce_min3A [0] : vector<512x1024xf32> to vector<1024xf32>
    %broadcast_in_dim3A_29 = vector.shape_cast %reduce_min3A_28 : vector<1024xf32> to vector<1x1024xf32>
    %eq3A = vector.broadcast %broadcast_in_dim3A_29 : vector<1x1024xf32> to vector<512x1024xf32>
    %eq3A_30 = arith.cmpf oeq, %sub3A_27, %eq3A : vector<512x1024xf32>
    %jit3A = arith.constant 512 : i32
    %broadcast_in_dim3A_31 = vector.broadcast %jit3A : i32 to vector<512x1024xi32>
    %select_n3A = arith.select %eq3A_30, %iota3A, %broadcast_in_dim3A_31 : vector<512x1024xi1>, vector<512x1024xi32>
    %reduce_min3A_32 = arith.constant dense<2147483647> : vector<1024xi32>
    %reduce_min3A_33 = vector.multi_reduction <minsi>, %select_n3A, %reduce_min3A_32 [0] : vector<512x1024xi32> to vector<1024xi32>
    %broadcast_in_dim3A_34 = vector.shape_cast %reduce_min3A_33 : vector<1024xi32> to vector<1x1024xi32>
    %eq3A_35 = vector.broadcast %broadcast_in_dim3A_34 : vector<1x1024xi32> to vector<512x1024xi32>
    %eq3A_36 = arith.cmpi eq, %iota3A, %eq3A_35 : vector<512x1024xi32>
    %jit3A_37 = arith.constant 0x7F800000 : f32
    %broadcast_in_dim3A_38 = vector.broadcast %jit3A_37 : f32 to vector<512x1024xf32>
    %select_n3A_39 = arith.select %eq3A_36, %broadcast_in_dim3A_38, %sub3A_27 : vector<512x1024xi1>, vector<512x1024xf32>
    %reduce_min3A_40 = arith.constant dense<0x7F800000> : vector<1024xf32>
    %reduce_min3A_41 = vector.multi_reduction <minimumf>, %select_n3A_39, %reduce_min3A_40 [0] : vector<512x1024xf32> to vector<1024xf32>
    %broadcast_in_dim3A_42 = vector.shape_cast %reduce_min3A_41 : vector<1024xf32> to vector<1x1024xf32>
    %eq3A_43 = vector.broadcast %broadcast_in_dim3A_42 : vector<1x1024xf32> to vector<512x1024xf32>
    %eq3A_44 = arith.cmpf oeq, %select_n3A_39, %eq3A_43 : vector<512x1024xf32>
    %jit3A_45 = arith.constant 512 : i32
    %broadcast_in_dim3A_46 = vector.broadcast %jit3A_45 : i32 to vector<512x1024xi32>
    %select_n3A_47 = arith.select %eq3A_44, %iota3A, %broadcast_in_dim3A_46 : vector<512x1024xi1>, vector<512x1024xi32>
    %reduce_min3A_48 = arith.constant dense<2147483647> : vector<1024xi32>
    %reduce_min3A_49 = vector.multi_reduction <minsi>, %select_n3A_47, %reduce_min3A_48 [0] : vector<512x1024xi32> to vector<1024xi32>
    %swap3A = arith.constant 0 : index
    %swap3A_50 = arith.constant 0 : index
    %swap3A_51 = vector.load %arg2[%swap3A, %swap3A_50] : memref<1x2048xi32, #tpu.memory_space<vmem>>, vector<1x1024xi32>
    %swap3A_52 = vector.shape_cast %swap3A_51 : vector<1x1024xi32> to vector<1024xi32>
    %swap3A_53 = vector.shape_cast %reduce_min3A_33 : vector<1024xi32> to vector<1x1024xi32>
    tpu.vector_store %arg2[%swap3A, %swap3A_50], %swap3A_53 {strides = array<i32>} : memref<1x2048xi32, #tpu.memory_space<vmem>>, vector<1x1024xi32>,
    %swap3A_54 = arith.constant 0 : index
    %swap3A_55 = arith.constant 1024 : index
    %swap3A_56 = vector.load %arg2[%swap3A_54, %swap3A_55] : memref<1x2048xi32, #tpu.memory_space<vmem>>, vector<1x1024xi32>
    %swap3A_57 = vector.shape_cast %swap3A_56 : vector<1x1024xi32> to vector<1024xi32>
    %swap3A_58 = vector.shape_cast %reduce_min3A_49 : vector<1024xi32> to vector<1x1024xi32>
    tpu.vector_store %arg2[%swap3A_54, %swap3A_55], %swap3A_58 {strides = array<i32>} : memref<1x2048xi32, #tpu.memory_space<vmem>>, vector<1x1024xi32>,
    return
  }
}

module attributes {stable_mosaic.version = 14 : i64} {
  func.func @_tc2_kernel(%arg0: memref<4x256x256xf32, #tpu.memory_space<vmem>>, %arg1: memref<2048x256xf32, #tpu.memory_space<vmem>>, %arg2: memref<1x2048xi32, #tpu.memory_space<vmem>>, %arg3: memref<1x1024xi32, #tpu.memory_space<vmem>>, %arg4: memref<4x256x256xf32, #tpu.memory_space<vmem>>) attributes {dimension_semantics = [], scalar_prefetch = 0 : i64, scratch_operands = 0 : i64, tpu.core_type = #tpu.core_type<tc>} {
    %get3A = arith.constant 0 : index
    %get3A_0 = arith.constant 0 : index
    %get3A_1 = arith.constant 0 : index
    %get3A_2 = vector.load %arg0[%get3A, %get3A_0, %get3A_1] : memref<4x256x256xf32, #tpu.memory_space<vmem>>, vector<1x256x256xf32>
    %get3A_3 = vector.shape_cast %get3A_2 : vector<1x256x256xf32> to vector<256x256xf32>
    %get3A_4 = arith.constant 1 : index
    %get3A_5 = arith.constant 0 : index
    %get3A_6 = arith.constant 0 : index
    %get3A_7 = vector.load %arg0[%get3A_4, %get3A_5, %get3A_6] : memref<4x256x256xf32, #tpu.memory_space<vmem>>, vector<1x256x256xf32>
    %get3A_8 = vector.shape_cast %get3A_7 : vector<1x256x256xf32> to vector<256x256xf32>
    %get3A_9 = arith.constant 2 : index
    %get3A_10 = arith.constant 0 : index
    %get3A_11 = arith.constant 0 : index
    %get3A_12 = vector.load %arg0[%get3A_9, %get3A_10, %get3A_11] : memref<4x256x256xf32, #tpu.memory_space<vmem>>, vector<1x256x256xf32>
    %get3A_13 = vector.shape_cast %get3A_12 : vector<1x256x256xf32> to vector<256x256xf32>
    %get3A_14 = arith.constant 3 : index
    %get3A_15 = arith.constant 0 : index
    %get3A_16 = arith.constant 0 : index
    %get3A_17 = vector.load %arg0[%get3A_14, %get3A_15, %get3A_16] : memref<4x256x256xf32, #tpu.memory_space<vmem>>, vector<1x256x256xf32>
    %get3A_18 = vector.shape_cast %get3A_17 : vector<1x256x256xf32> to vector<256x256xf32>
    %concatenate3A = tpu.concatenate %get3A_3, %get3A_8, %get3A_13, %get3A_18 in 1 : vector<256x256xf32>, vector<256x256xf32>, vector<256x256xf32>, vector<256x256xf32> -> vector<256x1024xf32>
    %get3A_19 = arith.constant 0 : index
    %get3A_20 = arith.constant 0 : index
    %get3A_21 = vector.load %arg1[%get3A_19, %get3A_20] : memref<2048x256xf32, #tpu.memory_space<vmem>>, vector<2048x256xf32>
    %transpose3A = tpu.transpose %get3A_21, [1, 0] : vector<2048x256xf32> -> vector<256x2048xf32>
    %slice3A = vector.extract_strided_slice %transpose3A {offsets = [0, 0], sizes = [256, 1024], strides = [1, 1]} : vector<256x2048xf32> to vector<256x1024xf32>
    %slice3A_22 = vector.extract_strided_slice %transpose3A {offsets = [0, 1024], sizes = [256, 1024], strides = [1, 1]} : vector<256x2048xf32> to vector<256x1024xf32>
    %get3A_23 = arith.constant 0 : index
    %get3A_24 = arith.constant 0 : index
    %get3A_25 = vector.load %arg2[%get3A_23, %get3A_24] : memref<1x2048xi32, #tpu.memory_space<vmem>>, vector<1x1024xi32>
    %get3A_26 = vector.shape_cast %get3A_25 : vector<1x1024xi32> to vector<1024xi32>
    %get3A_27 = arith.constant 0 : index
    %get3A_28 = arith.constant 1024 : index
    %get3A_29 = vector.load %arg2[%get3A_27, %get3A_28] : memref<1x2048xi32, #tpu.memory_space<vmem>>, vector<1x1024xi32>
    %get3A_30 = vector.shape_cast %get3A_29 : vector<1x1024xi32> to vector<1024xi32>
    %sub3A = arith.subf %concatenate3A, %slice3A : vector<256x1024xf32>
    %sub3A_31 = arith.subf %concatenate3A, %slice3A_22 : vector<256x1024xf32>
    %mul3A = arith.mulf %sub3A, %sub3A : vector<256x1024xf32>
    %reduce_sum3A = arith.constant dense<0.000000e+00> : vector<1024xf32>
    %reduce_sum3A_32 = vector.multi_reduction <add>, %mul3A, %reduce_sum3A [0] : vector<256x1024xf32> to vector<1024xf32>
    %sqrt3A = math.sqrt %reduce_sum3A_32 : vector<1024xf32>
    %mul3A_33 = arith.mulf %sub3A_31, %sub3A_31 : vector<256x1024xf32>
    %reduce_sum3A_34 = arith.constant dense<0.000000e+00> : vector<1024xf32>
    %reduce_sum3A_35 = vector.multi_reduction <add>, %mul3A_33, %reduce_sum3A_34 [0] : vector<256x1024xf32> to vector<1024xf32>
    %sqrt3A_36 = math.sqrt %reduce_sum3A_35 : vector<1024xf32>
    %lt3A = arith.cmpf olt, %sqrt3A_36, %sqrt3A : vector<1024xf32>
    %eq3A = arith.cmpf oeq, %sqrt3A_36, %sqrt3A : vector<1024xf32>
    %lt3A_37 = arith.cmpi slt, %get3A_30, %get3A_26 : vector<1024xi32>
    %and3A = arith.andi %eq3A, %lt3A_37 : vector<1024xi1>
    %or3A = arith.ori %lt3A, %and3A : vector<1024xi1>
    %select_n3A = arith.select %or3A, %get3A_30, %get3A_26 : vector<1024xi1>, vector<1024xi32>
    %swap3A = arith.constant 0 : index
    %swap3A_38 = arith.constant 0 : index
    %swap3A_39 = vector.load %arg3[%swap3A, %swap3A_38] : memref<1x1024xi32, #tpu.memory_space<vmem>>, vector<1x1024xi32>
    %swap3A_40 = vector.shape_cast %swap3A_39 : vector<1x1024xi32> to vector<1024xi32>
    %swap3A_41 = vector.shape_cast %select_n3A : vector<1024xi32> to vector<1x1024xi32>
    tpu.vector_store %arg3[%swap3A, %swap3A_38], %swap3A_41 {strides = array<i32>} : memref<1x1024xi32, #tpu.memory_space<vmem>>, vector<1x1024xi32>,
    %broadcast_in_dim3A = vector.shape_cast %or3A : vector<1024xi1> to vector<1x1024xi1>
    %broadcast_in_dim3A_42 = vector.shape_cast %broadcast_in_dim3A : vector<1x1024xi1> to vector<1x1024xi1>
    %broadcast_in_dim3A_43 = vector.broadcast %broadcast_in_dim3A_42 : vector<1x1024xi1> to vector<256x1024xi1>
    %select_n3A_44 = arith.select %broadcast_in_dim3A_43, %slice3A_22, %slice3A : vector<256x1024xi1>, vector<256x1024xf32>
    %slice3A_45 = vector.extract_strided_slice %select_n3A_44 {offsets = [0, 0], sizes = [256, 256], strides = [1, 1]} : vector<256x1024xf32> to vector<256x256xf32>
    %swap3A_46 = arith.constant 0 : index
    %swap3A_47 = arith.constant 0 : index
    %swap3A_48 = arith.constant 0 : index
    %swap3A_49 = vector.load %arg4[%swap3A_46, %swap3A_47, %swap3A_48] : memref<4x256x256xf32, #tpu.memory_space<vmem>>, vector<1x256x256xf32>
    %swap3A_50 = vector.shape_cast %swap3A_49 : vector<1x256x256xf32> to vector<256x256xf32>
    %swap3A_51 = vector.shape_cast %slice3A_45 : vector<256x256xf32> to vector<1x256x256xf32>
    tpu.vector_store %arg4[%swap3A_46, %swap3A_47, %swap3A_48], %swap3A_51 {strides = array<i32>} : memref<4x256x256xf32, #tpu.memory_space<vmem>>, vector<1x256x256xf32>,
    %slice3A_52 = vector.extract_strided_slice %select_n3A_44 {offsets = [0, 256], sizes = [256, 256], strides = [1, 1]} : vector<256x1024xf32> to vector<256x256xf32>
    %swap3A_53 = arith.constant 1 : index
    %swap3A_54 = arith.constant 0 : index
    %swap3A_55 = arith.constant 0 : index
    %swap3A_56 = vector.load %arg4[%swap3A_53, %swap3A_54, %swap3A_55] : memref<4x256x256xf32, #tpu.memory_space<vmem>>, vector<1x256x256xf32>
    %swap3A_57 = vector.shape_cast %swap3A_56 : vector<1x256x256xf32> to vector<256x256xf32>
    %swap3A_58 = vector.shape_cast %slice3A_52 : vector<256x256xf32> to vector<1x256x256xf32>
    tpu.vector_store %arg4[%swap3A_53, %swap3A_54, %swap3A_55], %swap3A_58 {strides = array<i32>} : memref<4x256x256xf32, #tpu.memory_space<vmem>>, vector<1x256x256xf32>,
    %slice3A_59 = vector.extract_strided_slice %select_n3A_44 {offsets = [0, 512], sizes = [256, 256], strides = [1, 1]} : vector<256x1024xf32> to vector<256x256xf32>
    %swap3A_60 = arith.constant 2 : index
    %swap3A_61 = arith.constant 0 : index
    %swap3A_62 = arith.constant 0 : index
    %swap3A_63 = vector.load %arg4[%swap3A_60, %swap3A_61, %swap3A_62] : memref<4x256x256xf32, #tpu.memory_space<vmem>>, vector<1x256x256xf32>
    %swap3A_64 = vector.shape_cast %swap3A_63 : vector<1x256x256xf32> to vector<256x256xf32>
    %swap3A_65 = vector.shape_cast %slice3A_59 : vector<256x256xf32> to vector<1x256x256xf32>
    tpu.vector_store %arg4[%swap3A_60, %swap3A_61, %swap3A_62], %swap3A_65 {strides = array<i32>} : memref<4x256x256xf32, #tpu.memory_space<vmem>>, vector<1x256x256xf32>,
    %slice3A_66 = vector.extract_strided_slice %select_n3A_44 {offsets = [0, 768], sizes = [256, 256], strides = [1, 1]} : vector<256x1024xf32> to vector<256x256xf32>
    %swap3A_67 = arith.constant 3 : index
    %swap3A_68 = arith.constant 0 : index
    %swap3A_69 = arith.constant 0 : index
    %swap3A_70 = vector.load %arg4[%swap3A_67, %swap3A_68, %swap3A_69] : memref<4x256x256xf32, #tpu.memory_space<vmem>>, vector<1x256x256xf32>
    %swap3A_71 = vector.shape_cast %swap3A_70 : vector<1x256x256xf32> to vector<256x256xf32>
    %swap3A_72 = vector.shape_cast %slice3A_66 : vector<256x256xf32> to vector<1x256x256xf32>
    tpu.vector_store %arg4[%swap3A_67, %swap3A_68, %swap3A_69], %swap3A_72 {strides = array<i32>} : memref<4x256x256xf32, #tpu.memory_space<vmem>>, vector<1x256x256xf32>,
    return
  }
}

</mosaic_0001>

<sc_bundles>
// kernel: kernel.5.cloned.1.call-start
scs
__scs_entry_jumppad:
0x0: {  	(pc) =	sbr.rel $0x88, $3  }
0x1: {  	(tag) =	ssettag $0x0;
	lr =	simm.s32 $0x1  }
0x2: {  	[smem:$0x3F9F] =	sst lr;
	_ =	strace $0xD0000000  }
0x3: {  	_ = 	snop  }
0x4: {  	_ = 	snop  }
0x5: {  	_ = 	snop  }
0x6: {  	_ = 	snop  }
0x7: {  	_ = 	snop  }
__scs_overlays_trampoline_lowered:
0x8: {  	[smem:$0x3FAE] =	sst s0  }
0x9: {  	[smem:$0x3FAF] =	sst s1  }
0xa: {  	[smem:$0x3FB0] =	sst s2  }
0xb: {  	[smem:$0x3FB1] =	sst s3  }
0xc: {  	[smem:$0x3FB2] =	sst s4  }
0xd: {  	[smem:$0x3FB3] =	sst s5  }
0xe: {  	[smem:$0x3FB4] =	sst s6  }
0xf: {  	[smem:$0x3FB5] =	sst s7  }
0x10: {  	[smem:$0x3FB6] =	sst s8  }
0x11: {  	[smem:$0x3FB7] =	sst s9;
	s0 =	simm.s32 @!p0 $0x0  }
0x12: {  	s1 =	sld [smem:$0x3F9D];
	s0 =	simm.s32 @p0 $0x1  }
0x13: {  	[smem:$0x3FB8] =	sst s0;
	s0 =	simm.s32 @!p1 $0x0  }
0x14: {  	s2 =	sld [smem:$0x3F9C];
	s0 =	simm.s32 @p1 $0x1  }
0x15: {  	[smem:$0x3FB9] =	sst s0;
	s0 =	simm.s32 @!p2 $0x0  }
0x16: {  	s3 =	sld [smem:$0x3FDB];
	s0 =	simm.s32 @p2 $0x1  }
0x17: {  	s4 =	simm.s32 $0x1BF5;
	[smem:$0x3FBB] =	sst s0  }
0x18: {  	s0 =	sld [smem:$0x3F9E];
	_ =	swait.ge [sflag:s4], $0x0  }
0x19: {  	s7 =	sld [smem:$0x3F9F]  }
0x1a: {  	s8 =	sadd.s32 $0xFFFFE003, lr  }
0x1b: {  	s9 =	sadd.s32 $0xFFFFFEF7, lr;
	s5 =	simm.s32 $0xFFFFFFFF;
	p2 =	slt.u32 s8, $0xFFFFF086  }
0x1c: {  	p1 =	slt.u32 s9, $0xF7A;
	s5 =	simm.s32 @!p2 $0x0  }
0x1d: {  	s5 =	simm.s32 @p1 $0x1;
	p0 =	seq.s32 s7, s2  }
0x1e: {  	s7 =	smul.u32 @!p0 $0xF7A, s2;
	p2 =	seq.s32 @!p0 s5, $0x0  }
0x1f: {  	s9 =	smul.u32 $0xF7A, s1;
	s8 =	simm.s32 @!p0 $0x1BF5;
	p2 =	por !p2, p0  }
0x20: {  	[sflag:s8] =	ssyncset.s32 @!p0 $0xFFFFF086;
	s6 =	sadd.s32 @!p0 s3, s7;
	s7 =	simm.s32 @!p0 $0x108  }
0x21: {  	s3 =	sadd.s32 s3, s9;
	s6 =	sadd.s32 @!p0 $0x88, s6;
	s7 =	simm.s32 @p2 $0x1082  }
0x22: {  	[simem:s7], [sflag:s8] =	dma.local @!p0 [hbm:s6], $0xF7A  }
0x23: {  	s9 =	sor.u32 $0xD0000000, s2;
	s6 =	simm.s32 $0x108;
	_ =	swait.ge @!p0 [sflag:s8], $0x0  }
0x24: {  	s3 =	sadd.s32 $0x88, s3;
	s6 =	simm.s32 @!p1 $0x1082;
	[sflag:s4] =	ssyncset.s32 $0xFFFFF086  }
0x25: {  	[simem:s6], [sflag:s4] =	dma.local [hbm:s3], $0xF7A  }
0x26: {  	[smem:$0x3F9F] =	sst s1;
	(tag) =	ssettag s2;
	_ =	strace s9  }
0x27: {  	s1 =	sld [smem:$0x3FAF]  }
0x28: {  	s2 =	sld [smem:$0x3FB0]  }
0x29: {  	s4 =	sld [smem:$0x3FB2]  }
0x2a: {  	p0 =	seq.s32 s5, $0x0;
	s5 =	sld [smem:$0x3FB3]  }
0x2b: {  	s6 =	sld [smem:$0x3FB4]  }
0x2c: {  	s7 =	sld [smem:$0x3FB5]  }
0x2d: {  	s3 =	simm.s32 $0x108;
	s8 =	sld [smem:$0x3FB6]  }
0x2e: {  	s3 =	simm.s32 @!p0 $0x1082;
	s9 =	sld [smem:$0x3FB7]  }
0x2f: {  	lr =	sadd.s32 s0, s3;
	s0 =	sld [smem:$0x3FAE]  }
0x30: {  	s3 =	sld [smem:$0x3FB1]  }
0x31: {  	[smem:$0x3FBA] =	sst s10  }
0x32: {  	s10 =	sld [smem:$0x3FB8];
	_ =	sdelay $0x3  }
0x33: {  	p0 =	seq.s32 s10, $0x1;
	s10 =	sld [smem:$0x3FBA];
	_ =	sdelay $0x3  }
0x34: {  	[smem:$0x3FBA] =	sst s10  }
0x35: {  	s10 =	sld [smem:$0x3FB9];
	_ =	sdelay $0x3  }
0x36: {  	p1 =	seq.s32 s10, $0x1;
	s10 =	sld [smem:$0x3FBA];
	_ =	sdelay $0x3  }
0x37: {  	[smem:$0x3FBA] =	sst s10  }
0x38: {  	s10 =	sld [smem:$0x3FBB]  }
0x39: {  	_ = 	snop;
	(pc) =	sbr.ind lr, $3  }
0x3a: {  	_ = 	snop  }
0x3b: {  	_ = 	snop  }
0x3c: {  	p2 =	seq.s32 s10, $0x1;
	s10 =	sld [smem:$0x3FBA]  }
0x3d: {  	_ =	shalt  }
0x3e: {  	_ =	shalt  }
0x3f: {  	_ =	shalt  }
0x40: {  	_ =	shalt  }
0x41: {  	_ =	shalt  }
0x42: {  	_ =	shalt  }
0x43: {  	_ =	shalt  }
0x44: {  	_ =	shalt  }
0x45: {  	_ =	shalt  }
0x46: {  	_ =	shalt  }
0x47: {  	_ =	shalt  }
0x48: {  	_ =	shalt  }
0x49: {  	_ =	shalt  }
0x4a: {  	_ =	shalt  }
0x4b: {  	_ =	shalt  }
0x4c: {  	_ =	shalt  }
0x4d: {  	_ =	shalt  }
0x4e: {  	_ =	shalt  }
0x4f: {  	_ =	shalt  }
0x50: {  	_ =	shalt  }
0x51: {  	_ =	shalt  }
0x52: {  	_ =	shalt  }
0x53: {  	_ =	shalt  }
0x54: {  	_ =	shalt  }
0x55: {  	_ =	shalt  }
0x56: {  	_ =	shalt  }
0x57: {  	_ =	shalt  }
0x58: {  	_ =	shalt  }
0x59: {  	_ =	shalt  }
0x5a: {  	_ =	shalt  }
0x5b: {  	_ =	shalt  }
0x5c: {  	_ =	shalt  }
0x5d: {  	_ =	shalt  }
0x5e: {  	_ =	shalt  }
0x5f: {  	_ =	shalt  }
0x60: {  	_ =	shalt  }
0x61: {  	_ =	shalt  }
0x62: {  	_ =	shalt  }
0x63: {  	_ =	shalt  }
0x64: {  	_ =	shalt  }
0x65: {  	_ =	shalt  }
0x66: {  	_ =	shalt  }
0x67: {  	_ =	shalt  }
0x68: {  	_ =	shalt  }
0x69: {  	_ =	shalt  }
0x6a: {  	_ =	shalt  }
0x6b: {  	_ =	shalt  }
0x6c: {  	_ =	shalt  }
0x6d: {  	_ =	shalt  }
0x6e: {  	_ =	shalt  }
0x6f: {  	_ =	shalt  }
0x70: {  	_ =	shalt  }
0x71: {  	_ =	shalt  }
0x72: {  	_ =	shalt  }
0x73: {  	_ =	shalt  }
0x74: {  	_ =	shalt  }
0x75: {  	_ =	shalt  }
0x76: {  	_ =	shalt  }
0x77: {  	_ =	shalt  }
0x78: {  	_ =	shalt  }
0x79: {  	_ =	shalt  }
0x7a: {  	_ =	shalt  }
0x7b: {  	_ =	shalt  }
0x7c: {  	_ =	shalt  }
0x7d: {  	_ =	shalt  }
0x7e: {  	_ =	shalt  }
0x7f: {  	_ =	shalt  }
0x80: {  	_ =	shalt  }
0x81: {  	_ =	shalt  }
0x82: {  	_ =	shalt  }
0x83: {  	_ =	shalt  }
0x84: {  	_ =	shalt  }
0x85: {  	_ =	shalt  }
0x86: {  	_ =	shalt  }
0x87: {  	_ =	shalt  }
.Lfunc_end0:
.L_simem_size_0:
called_computation_lowered:
.L_overlay_start_0:
0x88: {  	s2 =	sld [smem:$0x3FD9]  }
0x89: {  	s3 =	sld [smem:$0x3FFE];
	_ =	sdelay $0x1  }
0x8a: {  	s1 =	srdreg.scid  }
0x8b: {  	s0 =	sand.u32 $0x1, s1  }
0x8c: {  	s14 =	sshll.u32 s0, $0xA;
	s2 =	sadd.s32 s3, s2  }
0x8d: {  	s2 =	sadd.s32 s2, s14  }
0x8e: {  	[smem:$0x3FC6] =	sst s2  }
0x8f: {  	_ = 	snop  }
0x90: {  	s2 =	sld [smem:$0x3FD0];
	_ =	sdelay $0x2  }
0x91: {  	s4 =	simm.s32 $0xA;
	s5 =	simm.s32 $0x10;
	s15 =	sld [smem:$0x3FC8]  }
0x92: {  	[smem:s5], [sflag:s4] =	dma.local [hbm:s2], $0x1  }
0x93: {  	_ =	swait.eq [sflag:s4], $0x1  }
0x94: {  	[sflag:s4] =	ssyncset.done $0x0  }
0x95: {  	[sflag:s4] =	ssyncadd.s32 $0xFFFFFFFF  }
0x96: {  	s16 =	sld [smem:$0x11];
	(tm) =	ssettm $0x1  }
0x97: {  	s17 =	sld [smem:$0x3FFB];
	_ =	sdelay $0x3  }
0x98: {  	_ =	strace s17  }
0x99: {  	s4 =	sld [smem:$0x3FFC];
	_ =	sdelay $0x3  }
0x9a: {  	_ =	strace s4  }
0x9b: {  	s4 =	sld [smem:$0x3FFD];
	_ =	sdelay $0x3  }
0x9c: {  	_ =	strace s4  }
0x9d: {  	_ =	strace $0x8FFFFFFF  }
0x9e: {  	s18 =	sld [smem:$0x3FDB];
	_ =	sdelay $0x1  }
0x9f: {  	s19 =	simm.s32 $_scs_section_size  }
0xa0: {  	s6 =	simm.s32 $_size__tile_overlayer_lowered;
	s7 =	simm.s32 $_tile_overlayer_lowered  }
0xa1: {  	s22 =	simm.s32 $0x1BFF;
	s21 =	sshll.u32 s7, $0x1;
	s4 =	sadd.s32 s19, s18  }
0xa2: {  	s8 =	simm.s32 $0x0;
	s20 =	sshll.u32 s6, $0x1;
	s6 =	sadd.s32 s21, s4  }
0xa3: {  	[timem:s8], [sflag:s22] =	dma.local [hbm:s6], s20  }
0xa4: {  	_ =	swait.ge [sflag:s22], s20  }
0xa5: {  	s5 =	ssub.s32 $0x0, s20;
	[sflag:s22] =	ssyncset.done $0x0  }
0xa6: {  	[sflag:s22] =	ssyncadd.s32 s5;
	_ =	sdelay $0x1  }
0xa7: {  	s23 =	simm.s32 $0x1B8B  }
0xa8: {  	_ =	swait.ge [sflag:s23], $0x1  }
0xa9: {  	[sflag:s23] =	ssyncset.done $0x0  }
0xaa: {  	s25 =	simm.s32 $0x1B8E;
	s24 =	sld [smem:$0x3FFE];
	[sflag:s23] =	ssyncadd.s32 $0xFFFFFFFF  }
0xab: {  	s26 =	simm.s32 $execute0_lowered;
	[smem:$0x3FD2] =	sst s25  }
0xac: {  	s6 =	sshll.u32 s26, $0x1;
	_ =	strace $0x80000046;
	[dreg:$0x1] =	wrdreg $0xFFFFFFFF  }
0xad: {  	s28 =	simm.s32 $_size_execute0_lowered;
	s4 =	sadd.s32 s4, s6;
	[dreg:$0x0] =	wrdreg $0x0  }
0xae: {  	s6 =	sshll.u32 s28, $0x1;
	[dreg:$0x2] =	wrdreg s4  }
0xaf: {  	[dreg:$0x3] =	wrdreg s6  }
0xb0: {  	[dreg:$0x4] =	wrdreg $0xC0  }
0xb1: {  	_ =	task [dreg:s8], $0x5FFFF  }
0xb2: {  	[dreg:$0x1] =	wrdreg $0xFFFFFFFF  }
0xb3: {  	[dreg:$0x0] =	wrdreg $0x60  }
0xb4: {  	[dreg:$0x2] =	wrdreg s15  }
0xb5: {  	[dreg:$0x3] =	wrdreg s16  }
0xb6: {  	[dreg:$0x4] =	wrdreg s24  }
0xb7: {  	[dreg:$0x5] =	wrdreg $0x9  }
0xb8: {  	_ =	task.clear_ibuf [dreg:s8], $0x6FFFF;
	_ =	strace $0x90000046  }
0xb9: {  	s29 =	simm.s32 $0x9;
	_ =	strace $0x80000048  }
0xba: {  	_ =	swait.ge [sflag:s29], $0x1  }
0xbb: {  	[sflag:s29] =	ssyncadd.s32 $0xFFFFFFFF  }
0xbc: {  	_ =	strace $0x90000048  }
0xbd: {  	_ =	sfence  }
0xbe: {  	s30 =	sld [smem:$0x0];
	_ =	sdelay $0x2  }
0xbf: {  	s31 =	sshll.u32 s1, $0xD;
	s1 =	sshrl.u32 s1, $0x2  }
0xc0: {  	s3 =	sand.u32 $0x4000, s31;
	s1 =	sadd.s32 s1, s30  }
0xc1: {  	s0 =	sor.u32 s3, s0;
	s1 =	sshll.u32 s1, $0x11  }
0xc2: {  	s0 =	sor.u32 s1, s0  }
0xc3: {  	s0 =	sadd.s32 $0x8F2B, s0  }
0xc4: {  	[sflag:s0] =	ssyncadd.remote.s32 $0x1  }
0xc5: {  	_ =	sfence.sel $0xFFFF  }
0xc6: {  	[dreg:$0x0] =	wrdreg $0xFFFFFFFF;
	(pc) =	sbr.abs _section_cstart, $3  }
0xc7: {  	[dreg:$0x1] =	wrdreg $0xFFFFFFFF  }
0xc8: {  	_ =	task.clear_ibuf [dreg:s8], $0x2FFFF;
	_ =	strace $0x9FFFFFFF  }
0xc9: {  	(tm) =	ssettm $0x7FFFFFFF  }
tec
execute0_lowered:
.L_overlay_start_1:
0x0: {  	(tag) =	ssettag $0x1  }
0x1: {  	s1 =	rddreg [dreg:$0x0]  }
0x2: {  	s4 =	rddreg [dreg:$0x1]  }
0x3: {  	s5 =	rddreg [dreg:$0x2]  }
0x4: {  	s0 =	rddreg [dreg:$0x3];
	s6 =	srdreg.scid  }
0x5: {  	s3 =	simm.s32 $0x0;
	s2 =	stileid.u32;
	s10 =	simm.s32 $0x1080  }
0x6: {  	s11 =	simm.s32 $0x1880;
	s12 =	simm.s32 $0x2080;
	s13 =	simm.s32 $0x2880  }
0x7: {  	s14 =	simm.s32 $0x3080;
	s15 =	simm.s32 $0x3880;
	s6 =	sand.u32 $0x1, s6  }
0x8: {  	s16 =	simm.s32 $0x1;
	s7 =	sshll.u32 s2, $0x7;
	s8 =	sshll.u32 s6, $0x6  }
0x9: {  	[smem:$0x7FF] =	sst s3;
	s6 =	ssub.s32 $0x2, s6;
	s7 =	sor.u32 s8, s7  }
0xa: {  	_ =	strace $0x80000047;
	s9 =	sshrl.u32 s6, $0x1;
	s8 =	sshll.u32 s7, $0x5  }
0xb: {  	v2 =	vlaneseq.u32;
	s7 =	sshrl.u32 s7, $0x3;
	s6 =	ssub.s32 s6, s9;
	s9 =	simm.s32 $0x880  }
0xc: {  	vm0 =	vmmov $0xffff;
	v1 =	vshrl.u32 v2, $0x3;
	s5 =	sadd.s32 s8, s5;
	s4 =	sadd.s32 s4, s7;
	s6 =	smax.u32 s6, $0x1  }
0xd: {  	v0 =	vand.u32 $0x7, v2;
	v2 =	vor.u32 $0x8, v2;
	v1 =	vmul.u32 $0x8, v1;
	s7 =	simm.s32 $0x2;
	s8 =	simm.s32 $0x80;
	s5 =	sadd.s32 $0xA00, s5  }
.LBB2_1:
0xe: {  	[tilespmem:s3], [sflag:$0x2] =	stream.linear.gather [hbm4b:s4+s3], $0x40, $0x38;
	[tilespmem:$0x4080] =	vst v63  }
0xf: {  	_ =	swait.ge [sflag:s7], $0x40  }
0x10: {  	[sflag:s7] =	ssyncset.done $0x0  }
0x11: {  	[sflag:s7] =	ssyncadd.s32 $0xFFFFFFC0  }
0x12: {  	v3 =	vld [tilespmem:$0x0];
	_ =	sdelay $0x4  }
0x13: {  	v4 =	vshll.u32 v3, $0x1  }
0x14: {  	v3 =	vand.u32 $0x7, v3;
	v4 =	vand.u32 $0xFFFFFFF0, v4  }
0x15: {  	v3 =	vor.u32 v3, v4  }
0x16: {  	v4 =	vperm.xlane v3, v0;
	_ =	sdelay $0x1  }
0x17: {  	v3 =	vperm.xlane v3, v2;
	v4 =	vadd.s32 v1, v4;
	_ =	sdelay $0x1  }
0x18: {  	v3 =	vadd.s32 v1, v3;
	_ =	sdelay $0x2  }
0x19: {  	[tilespmem:s8], [sflag:$0x1] =	stream.indirect_vreg.gather [hbm4b:s1+s3], $0x80, v4, vm0, $0xb8;
	[tilespmem:$0x4080] =	vst v63  }
0x1a: {  	_ = 	snop  }
0x1b: {  	[tilespmem:s9], [sflag:$0x1] =	stream.indirect_vreg.gather [hbm4b:s1+s3], $0x80, v3, vm0, $0xb8;
	[tilespmem:$0x4080] =	vst v63  }
0x1c: {  	v3 =	vld [tilespmem:$0x10];
	_ =	sdelay $0x4  }
0x1d: {  	v61 =	vshll.u32 v3, $0x1  }
0x1e: {  	v3 =	vand.u32 $0x7, v3;
	v4 =	vand.u32 $0xFFFFFFF0, v61  }
0x1f: {  	v3 =	vor.u32 v3, v4  }
0x20: {  	v4 =	vperm.xlane v3, v0;
	_ =	sdelay $0x1  }
0x21: {  	v3 =	vperm.xlane v3, v2;
	v4 =	vadd.s32 v1, v4;
	_ =	sdelay $0x1  }
0x22: {  	v3 =	vadd.s32 v1, v3;
	_ =	sdelay $0x2  }
0x23: {  	[tilespmem:s10], [sflag:$0x1] =	stream.indirect_vreg.gather [hbm4b:s1+s3], $0x80, v4, vm0, $0xb8;
	[tilespmem:$0x4080] =	vst v63  }
0x24: {  	_ = 	snop  }
0x25: {  	[tilespmem:s11], [sflag:$0x1] =	stream.indirect_vreg.gather [hbm4b:s1+s3], $0x80, v3, vm0, $0xb8;
	[tilespmem:$0x4080] =	vst v63  }
0x26: {  	v3 =	vld [tilespmem:$0x20];
	_ =	sdelay $0x4  }
0x27: {  	v62 =	vshll.u32 v3, $0x1  }
0x28: {  	v3 =	vand.u32 $0x7, v3;
	v4 =	vand.u32 $0xFFFFFFF0, v62  }
0x29: {  	v3 =	vor.u32 v3, v4  }
0x2a: {  	v4 =	vperm.xlane v3, v0;
	_ =	sdelay $0x1  }
0x2b: {  	v3 =	vperm.xlane v3, v2;
	v4 =	vadd.s32 v1, v4;
	_ =	sdelay $0x1  }
0x2c: {  	v3 =	vadd.s32 v1, v3;
	_ =	sdelay $0x2  }
0x2d: {  	[tilespmem:s12], [sflag:$0x1] =	stream.indirect_vreg.gather [hbm4b:s1+s3], $0x80, v4, vm0, $0xb8;
	[tilespmem:$0x4080] =	vst v63  }
0x2e: {  	_ = 	snop  }
0x2f: {  	[tilespmem:s13], [sflag:$0x1] =	stream.indirect_vreg.gather [hbm4b:s1+s3], $0x80, v3, vm0, $0xb8;
	[tilespmem:$0x4080] =	vst v63  }
0x30: {  	v3 =	vld [tilespmem:$0x30];
	_ =	sdelay $0x4  }
0x31: {  	v63 =	vshll.u32 v3, $0x1  }
0x32: {  	v3 =	vand.u32 $0x7, v3;
	v4 =	vand.u32 $0xFFFFFFF0, v63  }
0x33: {  	v3 =	vor.u32 v3, v4  }
0x34: {  	v4 =	vperm.xlane v3, v0;
	_ =	sdelay $0x1  }
0x35: {  	v3 =	vperm.xlane v3, v2;
	v4 =	vadd.s32 v1, v4;
	_ =	sdelay $0x1  }
0x36: {  	v3 =	vadd.s32 v1, v3;
	_ =	sdelay $0x2  }
0x37: {  	[tilespmem:s14], [sflag:$0x1] =	stream.indirect_vreg.gather [hbm4b:s1+s3], $0x80, v4, vm0, $0xb8;
	[tilespmem:$0x4080] =	vst v63  }
0x38: {  	_ = 	snop  }
0x39: {  	[tilespmem:s15], [sflag:$0x1] =	stream.indirect_vreg.gather [hbm4b:s1+s3], $0x80, v3, vm0, $0xb8;
	[tilespmem:$0x4080] =	vst v63  }
0x3a: {  	_ =	swait.ge [sflag:s16], $0x4000  }
0x3b: {  	p0 =	sne.s32 s6, $0x1;
	[sflag:s16] =	ssyncset.done $0x0  }
.Ltmp0:
0x3c: {  	[sflag:s16] =	ssyncadd.s32 $0xFFFFC000;
	(pc) =	sbr.rel @p0 .LBB2_1-.Ltmp0, $4  }
0x3d: {  	[hbm4b:s5+s3] =	stream.linear.scatter [tilespmem:s8], [sflag:$0x2], $0x4000, $0x38;
	[tilespmem:$0x4080] =	vst v63  }
0x3e: {  	_ =	swait.ge [sflag:s7], $0x4000  }
0x3f: {  	[sflag:s7] =	ssyncset.done $0x0  }
0x40: {  	s6 =	sadd.s32 $0xFFFFFFFF, s6;
	[sflag:s7] =	ssyncadd.s32 $0xFFFFC000  }
0x41: {  	_ =	sfence.sel $0x180000  }
0x42: {  	[bflag:$0x0] =	sbarrier.arrive $0xFFFF  }
0x43: {  	p0 =	sne.s32 s2, $0x0;
	_ =	strace $0x90000047  }
0x44: {  	s0 =	sadd.s32 @!p0 $0x100000, s0;
	[bflag:$0x2] =	sbarrier.arrive $0xFFFF  }
0x45: {  	[sflag:s0] =	ssyncadd.tile.s32 @!p0 $0x1;
	_ =	shalt  }
.Lfunc_end2:
_tile_overlayer_lowered:
.L_overlay_start_2:
0x46: {  	(tag) =	ssettag $0x2  }
0x47: {  	s0 =	rddreg [dreg:$0x0];
	s2 =	stileid.u32  }
0x48: {  	s1 =	rddreg [dreg:$0x1];
	p0 =	sne.s32 s2, $0x0  }
0x49: {  	s3 =	rddreg [dreg:$0x2];
	[bflag:$0x3] =	sbarrier.arrive $0xFFFF;
	s2 =	simm.s32 @!p0 $0x1C02  }
0x4a: {  	[timem:s3], [sflag:s2] =	dma.local @!p0 [hbm:s0], s1  }
0x4b: {  	s0 =	simm.s32 @!p0 $0x2  }
0x4c: {  	_ =	swait.ge @!p0 [sflag:s0], s1  }
0x4d: {  	s1 =	ssub.s32 @!p0 $0x0, s1;
	[sflag:s0] =	ssyncset.done @!p0 $0x0  }
0x4e: {  	[sflag:s0] =	ssyncadd.s32 @!p0 s1  }
0x4f: {  	[bflag:$0x3] =	sbarrier.arrive $0xFFFF  }
0x50: {  	_ =	shalt  }

</sc_bundles>
